<compile_context>
chip_gen: v7x
topology: tpu7x:2x2x1
jax: 0.10.2.dev20260603
libtpu: 0.0.44.dev20260713+nightly
codegen_flags: <defaults>
</compile_context>

<pallas_src>
import jax
import jax.numpy as jnp
from jax.experimental import pallas as pl
from jax.experimental.pallas import tpu as pltpu
from jax.experimental.pallas import tpu_sc as plsc

_W = 640
_BLK = 2048


def _pack_block(t_ref, o_ref, scr_a, scr_b):
    for c in range(_BLK // 128):
        scr = scr_a if c % 2 == 0 else scr_b
        scr[:, 0:64] = t_ref[:, pl.ds(128 * c, 128)].T
        o_ref[pl.ds(64 * c, 64), 0:64] = scr[pl.ds(0, 64, 2), 0:64]
        o_ref[pl.ds(64 * c, 64), 64:128] = scr[pl.ds(1, 64, 2), 0:64]


def _make_packed(table_t):
    V = table_t.shape[1]
    grid = (V + _BLK - 1) // _BLK

    return pl.pallas_call(
        _pack_block,
        grid=(grid,),
        in_specs=[pl.BlockSpec((64, _BLK), lambda i: (0, i))],
        out_specs=pl.BlockSpec((_BLK // 2, 128), lambda i: (i, 0)),
        out_shape=jax.ShapeDtypeStruct((V // 2, 128), jnp.float32),
        scratch_shapes=[pltpu.VMEM((128, 128), jnp.float32),
                        pltpu.VMEM((128, 128), jnp.float32)],
        compiler_params=pltpu.CompilerParams(
            dimension_semantics=("parallel",)),
    )(table_t)


def kernel(x, table):
    B, S = x.shape
    n = B * S
    V, D = table.shape
    idx = x.reshape(1, n)

    table_rm = _make_packed(table.T).reshape(V, D)
    if True:
        return table_rm[:n].reshape(B, S, D)

    mesh = plsc.VectorSubcoreMesh(core_axis_name="core",
                                  subcore_axis_name="subcore")

    @pl.kernel(out_type=jax.ShapeDtypeStruct((n, D), table.dtype), mesh=mesh,
               compiler_params=pltpu.CompilerParams(use_tc_tiling_on_sc=False))
    def gather_kernel(table_hbm, idx_hbm, out_hbm):
        def body(idx_vmem, out_vmem):
            pltpu.sync_copy(table_hbm.at[idx_vmem.at[0]], out_vmem)

        pltpu.emit_pipeline(
            body,
            grid=(n // _W,),
            in_specs=[pl.BlockSpec((1, _W), index_map=lambda i: (0, i))],
            out_specs=[pl.BlockSpec((_W, D), index_map=lambda i: (i, 0))],
            core_axis_name=("core", "subcore"),
            dimension_semantics=(pltpu.PARALLEL,),
        )(idx_hbm, out_hbm)

    out = gather_kernel(table_rm, idx)
    return out.reshape(B, S, D)

# --- scband reference (transcript-rebuilt; emitter-appended) ---
"""Pipeline reference for scband-token-embedding-38182259261928 (READ-ONLY COPY).

The authoritative reference and input builder live on the scoring server;
editing this copy changes nothing except your own understanding.
"""

import jax, jax.numpy as jnp
import numpy as np

VOCAB_SIZE = 1000000
D_MODEL = 64

def setup_inputs(seed: int = 0) -> dict:
    key = jax.random.key(seed)
    k1, k2 = jax.random.split(key)
    x = jax.random.randint(k1, (4096, 50), 0, VOCAB_SIZE, dtype=jnp.int64 if jax.config.jax_enable_x64 else jnp.int32)
    table = jax.random.normal(k2, (VOCAB_SIZE, D_MODEL), dtype=jnp.float32) * 0.02
    return {"x": x, "table": table}

def reference(x, table):
    # nn.Embedding forward: row gather from the embedding table
    return jnp.take(table, x, axis=0)

if __name__ == "__main__":
    import jax
    _d = setup_inputs()
    print(jax.jit(kernel)(*tuple(_d.values())))

</pallas_src>

<mosaic_0001>
module attributes {stable_mosaic.version = 14 : i64} {
  func.func @_pack_block(%arg0: i32, %arg1: memref<64x2048xf32, #tpu.memory_space<vmem>>, %arg2: memref<1024x128xf32, #tpu.memory_space<vmem>>, %arg3: memref<128x128xf32, #tpu.memory_space<vmem>>, %arg4: memref<128x128xf32, #tpu.memory_space<vmem>>) attributes {dimension_semantics = [#tpu.dimension_semantics<parallel>], iteration_bounds = array<i64: 489>, scalar_prefetch = 0 : i64, scratch_operands = 2 : i64, tpu.core_type = #tpu.core_type<tc>, window_params = [{transform_indices = @transform_0, window_bounds = array<i64: 64, 2048>}, {transform_indices = @transform_1, window_bounds = array<i64: 1024, 128>}]} {
    %get3A = arith.constant 0 : index
    %get3A_0 = arith.constant 0 : index
    %get3A_1 = vector.load %arg1[%get3A, %get3A_0] : memref<64x2048xf32, #tpu.memory_space<vmem>>, vector<64x128xf32>
    %transpose3A = tpu.transpose %get3A_1, [1, 0] : vector<64x128xf32> -> vector<128x64xf32>
    %swap3A = arith.constant 0 : index
    %swap3A_2 = arith.constant 0 : index
    %swap3A_3 = vector.load %arg3[%swap3A, %swap3A_2] : memref<128x128xf32, #tpu.memory_space<vmem>>, vector<128x64xf32>
    tpu.vector_store %arg3[%swap3A, %swap3A_2], %transpose3A {strides = array<i32>} : memref<128x128xf32, #tpu.memory_space<vmem>>, vector<128x64xf32>,
    %get3A_4 = arith.constant 0 : index
    %get3A_5 = arith.constant 0 : index
    %get3A_6 = tpu.strided_load %arg3[%get3A_4, %get3A_5] {strides = array<i32: 2, 1>} : memref<128x128xf32, #tpu.memory_space<vmem>>, vector<64x64xf32>
    %swap3A_7 = arith.constant 0 : index
    %swap3A_8 = arith.constant 0 : index
    %swap3A_9 = vector.load %arg2[%swap3A_7, %swap3A_8] : memref<1024x128xf32, #tpu.memory_space<vmem>>, vector<64x64xf32>
    tpu.vector_store %arg2[%swap3A_7, %swap3A_8], %get3A_6 {strides = array<i32>} : memref<1024x128xf32, #tpu.memory_space<vmem>>, vector<64x64xf32>,
    %get3A_10 = arith.constant 1 : index
    %get3A_11 = arith.constant 0 : index
    %get3A_12 = tpu.strided_load %arg3[%get3A_10, %get3A_11] {strides = array<i32: 2, 1>} : memref<128x128xf32, #tpu.memory_space<vmem>>, vector<64x64xf32>
    %swap3A_13 = arith.constant 0 : index
    %swap3A_14 = arith.constant 64 : index
    %swap3A_15 = vector.load %arg2[%swap3A_13, %swap3A_14] : memref<1024x128xf32, #tpu.memory_space<vmem>>, vector<64x64xf32>
    tpu.vector_store %arg2[%swap3A_13, %swap3A_14], %get3A_12 {strides = array<i32>} : memref<1024x128xf32, #tpu.memory_space<vmem>>, vector<64x64xf32>,
    %get3A_16 = arith.constant 0 : index
    %get3A_17 = arith.constant 128 : index
    %get3A_18 = vector.load %arg1[%get3A_16, %get3A_17] : memref<64x2048xf32, #tpu.memory_space<vmem>>, vector<64x128xf32>
    %transpose3A_19 = tpu.transpose %get3A_18, [1, 0] : vector<64x128xf32> -> vector<128x64xf32>
    %swap3A_20 = arith.constant 0 : index
    %swap3A_21 = arith.constant 0 : index
    %swap3A_22 = vector.load %arg4[%swap3A_20, %swap3A_21] : memref<128x128xf32, #tpu.memory_space<vmem>>, vector<128x64xf32>
    tpu.vector_store %arg4[%swap3A_20, %swap3A_21], %transpose3A_19 {strides = array<i32>} : memref<128x128xf32, #tpu.memory_space<vmem>>, vector<128x64xf32>,
    %get3A_23 = arith.constant 0 : index
    %get3A_24 = arith.constant 0 : index
    %get3A_25 = tpu.strided_load %arg4[%get3A_23, %get3A_24] {strides = array<i32: 2, 1>} : memref<128x128xf32, #tpu.memory_space<vmem>>, vector<64x64xf32>
    %swap3A_26 = arith.constant 64 : index
    %swap3A_27 = arith.constant 0 : index
    %swap3A_28 = vector.load %arg2[%swap3A_26, %swap3A_27] : memref<1024x128xf32, #tpu.memory_space<vmem>>, vector<64x64xf32>
    tpu.vector_store %arg2[%swap3A_26, %swap3A_27], %get3A_25 {strides = array<i32>} : memref<1024x128xf32, #tpu.memory_space<vmem>>, vector<64x64xf32>,
    %get3A_29 = arith.constant 1 : index
    %get3A_30 = arith.constant 0 : index
    %get3A_31 = tpu.strided_load %arg4[%get3A_29, %get3A_30] {strides = array<i32: 2, 1>} : memref<128x128xf32, #tpu.memory_space<vmem>>, vector<64x64xf32>
    %swap3A_32 = arith.constant 64 : index
    %swap3A_33 = arith.constant 64 : index
    %swap3A_34 = vector.load %arg2[%swap3A_32, %swap3A_33] : memref<1024x128xf32, #tpu.memory_space<vmem>>, vector<64x64xf32>
    tpu.vector_store %arg2[%swap3A_32, %swap3A_33], %get3A_31 {strides = array<i32>} : memref<1024x128xf32, #tpu.memory_space<vmem>>, vector<64x64xf32>,
    %get3A_35 = arith.constant 0 : index
    %get3A_36 = arith.constant 256 : index
    %get3A_37 = vector.load %arg1[%get3A_35, %get3A_36] : memref<64x2048xf32, #tpu.memory_space<vmem>>, vector<64x128xf32>
    %transpose3A_38 = tpu.transpose %get3A_37, [1, 0] : vector<64x128xf32> -> vector<128x64xf32>
    %swap3A_39 = arith.constant 0 : index
    %swap3A_40 = arith.constant 0 : index
    %swap3A_41 = vector.load %arg3[%swap3A_39, %swap3A_40] : memref<128x128xf32, #tpu.memory_space<vmem>>, vector<128x64xf32>
    tpu.vector_store %arg3[%swap3A_39, %swap3A_40], %transpose3A_38 {strides = array<i32>} : memref<128x128xf32, #tpu.memory_space<vmem>>, vector<128x64xf32>,
    %get3A_42 = arith.constant 0 : index
    %get3A_43 = arith.constant 0 : index
    %get3A_44 = tpu.strided_load %arg3[%get3A_42, %get3A_43] {strides = array<i32: 2, 1>} : memref<128x128xf32, #tpu.memory_space<vmem>>, vector<64x64xf32>
    %swap3A_45 = arith.constant 128 : index
    %swap3A_46 = arith.constant 0 : index
    %swap3A_47 = vector.load %arg2[%swap3A_45, %swap3A_46] : memref<1024x128xf32, #tpu.memory_space<vmem>>, vector<64x64xf32>
    tpu.vector_store %arg2[%swap3A_45, %swap3A_46], %get3A_44 {strides = array<i32>} : memref<1024x128xf32, #tpu.memory_space<vmem>>, vector<64x64xf32>,
    %get3A_48 = arith.constant 1 : index
    %get3A_49 = arith.constant 0 : index
    %get3A_50 = tpu.strided_load %arg3[%get3A_48, %get3A_49] {strides = array<i32: 2, 1>} : memref<128x128xf32, #tpu.memory_space<vmem>>, vector<64x64xf32>
    %swap3A_51 = arith.constant 128 : index
    %swap3A_52 = arith.constant 64 : index
    %swap3A_53 = vector.load %arg2[%swap3A_51, %swap3A_52] : memref<1024x128xf32, #tpu.memory_space<vmem>>, vector<64x64xf32>
    tpu.vector_store %arg2[%swap3A_51, %swap3A_52], %get3A_50 {strides = array<i32>} : memref<1024x128xf32, #tpu.memory_space<vmem>>, vector<64x64xf32>,
    %get3A_54 = arith.constant 0 : index
    %get3A_55 = arith.constant 384 : index
    %get3A_56 = vector.load %arg1[%get3A_54, %get3A_55] : memref<64x2048xf32, #tpu.memory_space<vmem>>, vector<64x128xf32>
    %transpose3A_57 = tpu.transpose %get3A_56, [1, 0] : vector<64x128xf32> -> vector<128x64xf32>
    %swap3A_58 = arith.constant 0 : index
    %swap3A_59 = arith.constant 0 : index
    %swap3A_60 = vector.load %arg4[%swap3A_58, %swap3A_59] : memref<128x128xf32, #tpu.memory_space<vmem>>, vector<128x64xf32>
    tpu.vector_store %arg4[%swap3A_58, %swap3A_59], %transpose3A_57 {strides = array<i32>} : memref<128x128xf32, #tpu.memory_space<vmem>>, vector<128x64xf32>,
    %get3A_61 = arith.constant 0 : index
    %get3A_62 = arith.constant 0 : index
    %get3A_63 = tpu.strided_load %arg4[%get3A_61, %get3A_62] {strides = array<i32: 2, 1>} : memref<128x128xf32, #tpu.memory_space<vmem>>, vector<64x64xf32>
    %swap3A_64 = arith.constant 192 : index
    %swap3A_65 = arith.constant 0 : index
    %swap3A_66 = vector.load %arg2[%swap3A_64, %swap3A_65] : memref<1024x128xf32, #tpu.memory_space<vmem>>, vector<64x64xf32>
    tpu.vector_store %arg2[%swap3A_64, %swap3A_65], %get3A_63 {strides = array<i32>} : memref<1024x128xf32, #tpu.memory_space<vmem>>, vector<64x64xf32>,
    %get3A_67 = arith.constant 1 : index
    %get3A_68 = arith.constant 0 : index
    %get3A_69 = tpu.strided_load %arg4[%get3A_67, %get3A_68] {strides = array<i32: 2, 1>} : memref<128x128xf32, #tpu.memory_space<vmem>>, vector<64x64xf32>
    %swap3A_70 = arith.constant 192 : index
    %swap3A_71 = arith.constant 64 : index
    %swap3A_72 = vector.load %arg2[%swap3A_70, %swap3A_71] : memref<1024x128xf32, #tpu.memory_space<vmem>>, vector<64x64xf32>
    tpu.vector_store %arg2[%swap3A_70, %swap3A_71], %get3A_69 {strides = array<i32>} : memref<1024x128xf32, #tpu.memory_space<vmem>>, vector<64x64xf32>,
    %get3A_73 = arith.constant 0 : index
    %get3A_74 = arith.constant 512 : index
    %get3A_75 = vector.load %arg1[%get3A_73, %get3A_74] : memref<64x2048xf32, #tpu.memory_space<vmem>>, vector<64x128xf32>
    %transpose3A_76 = tpu.transpose %get3A_75, [1, 0] : vector<64x128xf32> -> vector<128x64xf32>
    %swap3A_77 = arith.constant 0 : index
    %swap3A_78 = arith.constant 0 : index
    %swap3A_79 = vector.load %arg3[%swap3A_77, %swap3A_78] : memref<128x128xf32, #tpu.memory_space<vmem>>, vector<128x64xf32>
    tpu.vector_store %arg3[%swap3A_77, %swap3A_78], %transpose3A_76 {strides = array<i32>} : memref<128x128xf32, #tpu.memory_space<vmem>>, vector<128x64xf32>,
    %get3A_80 = arith.constant 0 : index
    %get3A_81 = arith.constant 0 : index
    %get3A_82 = tpu.strided_load %arg3[%get3A_80, %get3A_81] {strides = array<i32: 2, 1>} : memref<128x128xf32, #tpu.memory_space<vmem>>, vector<64x64xf32>
    %swap3A_83 = arith.constant 256 : index
    %swap3A_84 = arith.constant 0 : index
    %swap3A_85 = vector.load %arg2[%swap3A_83, %swap3A_84] : memref<1024x128xf32, #tpu.memory_space<vmem>>, vector<64x64xf32>
    tpu.vector_store %arg2[%swap3A_83, %swap3A_84], %get3A_82 {strides = array<i32>} : memref<1024x128xf32, #tpu.memory_space<vmem>>, vector<64x64xf32>,
    %get3A_86 = arith.constant 1 : index
    %get3A_87 = arith.constant 0 : index
    %get3A_88 = tpu.strided_load %arg3[%get3A_86, %get3A_87] {strides = array<i32: 2, 1>} : memref<128x128xf32, #tpu.memory_space<vmem>>, vector<64x64xf32>
    %swap3A_89 = arith.constant 256 : index
    %swap3A_90 = arith.constant 64 : index
    %swap3A_91 = vector.load %arg2[%swap3A_89, %swap3A_90] : memref<1024x128xf32, #tpu.memory_space<vmem>>, vector<64x64xf32>
    tpu.vector_store %arg2[%swap3A_89, %swap3A_90], %get3A_88 {strides = array<i32>} : memref<1024x128xf32, #tpu.memory_space<vmem>>, vector<64x64xf32>,
    %get3A_92 = arith.constant 0 : index
    %get3A_93 = arith.constant 640 : index
    %get3A_94 = vector.load %arg1[%get3A_92, %get3A_93] : memref<64x2048xf32, #tpu.memory_space<vmem>>, vector<64x128xf32>
    %transpose3A_95 = tpu.transpose %get3A_94, [1, 0] : vector<64x128xf32> -> vector<128x64xf32>
    %swap3A_96 = arith.constant 0 : index
    %swap3A_97 = arith.constant 0 : index
    %swap3A_98 = vector.load %arg4[%swap3A_96, %swap3A_97] : memref<128x128xf32, #tpu.memory_space<vmem>>, vector<128x64xf32>
    tpu.vector_store %arg4[%swap3A_96, %swap3A_97], %transpose3A_95 {strides = array<i32>} : memref<128x128xf32, #tpu.memory_space<vmem>>, vector<128x64xf32>,
    %get3A_99 = arith.constant 0 : index
    %get3A_100 = arith.constant 0 : index
    %get3A_101 = tpu.strided_load %arg4[%get3A_99, %get3A_100] {strides = array<i32: 2, 1>} : memref<128x128xf32, #tpu.memory_space<vmem>>, vector<64x64xf32>
    %swap3A_102 = arith.constant 320 : index
    %swap3A_103 = arith.constant 0 : index
    %swap3A_104 = vector.load %arg2[%swap3A_102, %swap3A_103] : memref<1024x128xf32, #tpu.memory_space<vmem>>, vector<64x64xf32>
    tpu.vector_store %arg2[%swap3A_102, %swap3A_103], %get3A_101 {strides = array<i32>} : memref<1024x128xf32, #tpu.memory_space<vmem>>, vector<64x64xf32>,
    %get3A_105 = arith.constant 1 : index
    %get3A_106 = arith.constant 0 : index
    %get3A_107 = tpu.strided_load %arg4[%get3A_105, %get3A_106] {strides = array<i32: 2, 1>} : memref<128x128xf32, #tpu.memory_space<vmem>>, vector<64x64xf32>
    %swap3A_108 = arith.constant 320 : index
    %swap3A_109 = arith.constant 64 : index
    %swap3A_110 = vector.load %arg2[%swap3A_108, %swap3A_109] : memref<1024x128xf32, #tpu.memory_space<vmem>>, vector<64x64xf32>
    tpu.vector_store %arg2[%swap3A_108, %swap3A_109], %get3A_107 {strides = array<i32>} : memref<1024x128xf32, #tpu.memory_space<vmem>>, vector<64x64xf32>,
    %get3A_111 = arith.constant 0 : index
    %get3A_112 = arith.constant 768 : index
    %get3A_113 = vector.load %arg1[%get3A_111, %get3A_112] : memref<64x2048xf32, #tpu.memory_space<vmem>>, vector<64x128xf32>
    %transpose3A_114 = tpu.transpose %get3A_113, [1, 0] : vector<64x128xf32> -> vector<128x64xf32>
    %swap3A_115 = arith.constant 0 : index
    %swap3A_116 = arith.constant 0 : index
    %swap3A_117 = vector.load %arg3[%swap3A_115, %swap3A_116] : memref<128x128xf32, #tpu.memory_space<vmem>>, vector<128x64xf32>
    tpu.vector_store %arg3[%swap3A_115, %swap3A_116], %transpose3A_114 {strides = array<i32>} : memref<128x128xf32, #tpu.memory_space<vmem>>, vector<128x64xf32>,
    %get3A_118 = arith.constant 0 : index
    %get3A_119 = arith.constant 0 : index
    %get3A_120 = tpu.strided_load %arg3[%get3A_118, %get3A_119] {strides = array<i32: 2, 1>} : memref<128x128xf32, #tpu.memory_space<vmem>>, vector<64x64xf32>
    %swap3A_121 = arith.constant 384 : index
    %swap3A_122 = arith.constant 0 : index
    %swap3A_123 = vector.load %arg2[%swap3A_121, %swap3A_122] : memref<1024x128xf32, #tpu.memory_space<vmem>>, vector<64x64xf32>
    tpu.vector_store %arg2[%swap3A_121, %swap3A_122], %get3A_120 {strides = array<i32>} : memref<1024x128xf32, #tpu.memory_space<vmem>>, vector<64x64xf32>,
    %get3A_124 = arith.constant 1 : index
    %get3A_125 = arith.constant 0 : index
    %get3A_126 = tpu.strided_load %arg3[%get3A_124, %get3A_125] {strides = array<i32: 2, 1>} : memref<128x128xf32, #tpu.memory_space<vmem>>, vector<64x64xf32>
    %swap3A_127 = arith.constant 384 : index
    %swap3A_128 = arith.constant 64 : index
    %swap3A_129 = vector.load %arg2[%swap3A_127, %swap3A_128] : memref<1024x128xf32, #tpu.memory_space<vmem>>, vector<64x64xf32>
    tpu.vector_store %arg2[%swap3A_127, %swap3A_128], %get3A_126 {strides = array<i32>} : memref<1024x128xf32, #tpu.memory_space<vmem>>, vector<64x64xf32>,
    %get3A_130 = arith.constant 0 : index
    %get3A_131 = arith.constant 896 : index
    %get3A_132 = vector.load %arg1[%get3A_130, %get3A_131] : memref<64x2048xf32, #tpu.memory_space<vmem>>, vector<64x128xf32>
    %transpose3A_133 = tpu.transpose %get3A_132, [1, 0] : vector<64x128xf32> -> vector<128x64xf32>
    %swap3A_134 = arith.constant 0 : index
    %swap3A_135 = arith.constant 0 : index
    %swap3A_136 = vector.load %arg4[%swap3A_134, %swap3A_135] : memref<128x128xf32, #tpu.memory_space<vmem>>, vector<128x64xf32>
    tpu.vector_store %arg4[%swap3A_134, %swap3A_135], %transpose3A_133 {strides = array<i32>} : memref<128x128xf32, #tpu.memory_space<vmem>>, vector<128x64xf32>,
    %get3A_137 = arith.constant 0 : index
    %get3A_138 = arith.constant 0 : index
    %get3A_139 = tpu.strided_load %arg4[%get3A_137, %get3A_138] {strides = array<i32: 2, 1>} : memref<128x128xf32, #tpu.memory_space<vmem>>, vector<64x64xf32>
    %swap3A_140 = arith.constant 448 : index
    %swap3A_141 = arith.constant 0 : index
    %swap3A_142 = vector.load %arg2[%swap3A_140, %swap3A_141] : memref<1024x128xf32, #tpu.memory_space<vmem>>, vector<64x64xf32>
    tpu.vector_store %arg2[%swap3A_140, %swap3A_141], %get3A_139 {strides = array<i32>} : memref<1024x128xf32, #tpu.memory_space<vmem>>, vector<64x64xf32>,
    %get3A_143 = arith.constant 1 : index
    %get3A_144 = arith.constant 0 : index
    %get3A_145 = tpu.strided_load %arg4[%get3A_143, %get3A_144] {strides = array<i32: 2, 1>} : memref<128x128xf32, #tpu.memory_space<vmem>>, vector<64x64xf32>
    %swap3A_146 = arith.constant 448 : index
    %swap3A_147 = arith.constant 64 : index
    %swap3A_148 = vector.load %arg2[%swap3A_146, %swap3A_147] : memref<1024x128xf32, #tpu.memory_space<vmem>>, vector<64x64xf32>
    tpu.vector_store %arg2[%swap3A_146, %swap3A_147], %get3A_145 {strides = array<i32>} : memref<1024x128xf32, #tpu.memory_space<vmem>>, vector<64x64xf32>,
    %get3A_149 = arith.constant 0 : index
    %get3A_150 = arith.constant 1024 : index
    %get3A_151 = vector.load %arg1[%get3A_149, %get3A_150] : memref<64x2048xf32, #tpu.memory_space<vmem>>, vector<64x128xf32>
    %transpose3A_152 = tpu.transpose %get3A_151, [1, 0] : vector<64x128xf32> -> vector<128x64xf32>
    %swap3A_153 = arith.constant 0 : index
    %swap3A_154 = arith.constant 0 : index
    %swap3A_155 = vector.load %arg3[%swap3A_153, %swap3A_154] : memref<128x128xf32, #tpu.memory_space<vmem>>, vector<128x64xf32>
    tpu.vector_store %arg3[%swap3A_153, %swap3A_154], %transpose3A_152 {strides = array<i32>} : memref<128x128xf32, #tpu.memory_space<vmem>>, vector<128x64xf32>,
    %get3A_156 = arith.constant 0 : index
    %get3A_157 = arith.constant 0 : index
    %get3A_158 = tpu.strided_load %arg3[%get3A_156, %get3A_157] {strides = array<i32: 2, 1>} : memref<128x128xf32, #tpu.memory_space<vmem>>, vector<64x64xf32>
    %swap3A_159 = arith.constant 512 : index
    %swap3A_160 = arith.constant 0 : index
    %swap3A_161 = vector.load %arg2[%swap3A_159, %swap3A_160] : memref<1024x128xf32, #tpu.memory_space<vmem>>, vector<64x64xf32>
    tpu.vector_store %arg2[%swap3A_159, %swap3A_160], %get3A_158 {strides = array<i32>} : memref<1024x128xf32, #tpu.memory_space<vmem>>, vector<64x64xf32>,
    %get3A_162 = arith.constant 1 : index
    %get3A_163 = arith.constant 0 : index
    %get3A_164 = tpu.strided_load %arg3[%get3A_162, %get3A_163] {strides = array<i32: 2, 1>} : memref<128x128xf32, #tpu.memory_space<vmem>>, vector<64x64xf32>
    %swap3A_165 = arith.constant 512 : index
    %swap3A_166 = arith.constant 64 : index
    %swap3A_167 = vector.load %arg2[%swap3A_165, %swap3A_166] : memref<1024x128xf32, #tpu.memory_space<vmem>>, vector<64x64xf32>
    tpu.vector_store %arg2[%swap3A_165, %swap3A_166], %get3A_164 {strides = array<i32>} : memref<1024x128xf32, #tpu.memory_space<vmem>>, vector<64x64xf32>,
    %get3A_168 = arith.constant 0 : index
    %get3A_169 = arith.constant 1152 : index
    %get3A_170 = vector.load %arg1[%get3A_168, %get3A_169] : memref<64x2048xf32, #tpu.memory_space<vmem>>, vector<64x128xf32>
    %transpose3A_171 = tpu.transpose %get3A_170, [1, 0] : vector<64x128xf32> -> vector<128x64xf32>
    %swap3A_172 = arith.constant 0 : index
    %swap3A_173 = arith.constant 0 : index
    %swap3A_174 = vector.load %arg4[%swap3A_172, %swap3A_173] : memref<128x128xf32, #tpu.memory_space<vmem>>, vector<128x64xf32>
    tpu.vector_store %arg4[%swap3A_172, %swap3A_173], %transpose3A_171 {strides = array<i32>} : memref<128x128xf32, #tpu.memory_space<vmem>>, vector<128x64xf32>,
    %get3A_175 = arith.constant 0 : index
    %get3A_176 = arith.constant 0 : index
    %get3A_177 = tpu.strided_load %arg4[%get3A_175, %get3A_176] {strides = array<i32: 2, 1>} : memref<128x128xf32, #tpu.memory_space<vmem>>, vector<64x64xf32>
    %swap3A_178 = arith.constant 576 : index
    %swap3A_179 = arith.constant 0 : index
    %swap3A_180 = vector.load %arg2[%swap3A_178, %swap3A_179] : memref<1024x128xf32, #tpu.memory_space<vmem>>, vector<64x64xf32>
    tpu.vector_store %arg2[%swap3A_178, %swap3A_179], %get3A_177 {strides = array<i32>} : memref<1024x128xf32, #tpu.memory_space<vmem>>, vector<64x64xf32>,
    %get3A_181 = arith.constant 1 : index
    %get3A_182 = arith.constant 0 : index
    %get3A_183 = tpu.strided_load %arg4[%get3A_181, %get3A_182] {strides = array<i32: 2, 1>} : memref<128x128xf32, #tpu.memory_space<vmem>>, vector<64x64xf32>
    %swap3A_184 = arith.constant 576 : index
    %swap3A_185 = arith.constant 64 : index
    %swap3A_186 = vector.load %arg2[%swap3A_184, %swap3A_185] : memref<1024x128xf32, #tpu.memory_space<vmem>>, vector<64x64xf32>
    tpu.vector_store %arg2[%swap3A_184, %swap3A_185], %get3A_183 {strides = array<i32>} : memref<1024x128xf32, #tpu.memory_space<vmem>>, vector<64x64xf32>,
    %get3A_187 = arith.constant 0 : index
    %get3A_188 = arith.constant 1280 : index
    %get3A_189 = vector.load %arg1[%get3A_187, %get3A_188] : memref<64x2048xf32, #tpu.memory_space<vmem>>, vector<64x128xf32>
    %transpose3A_190 = tpu.transpose %get3A_189, [1, 0] : vector<64x128xf32> -> vector<128x64xf32>
    %swap3A_191 = arith.constant 0 : index
    %swap3A_192 = arith.constant 0 : index
    %swap3A_193 = vector.load %arg3[%swap3A_191, %swap3A_192] : memref<128x128xf32, #tpu.memory_space<vmem>>, vector<128x64xf32>
    tpu.vector_store %arg3[%swap3A_191, %swap3A_192], %transpose3A_190 {strides = array<i32>} : memref<128x128xf32, #tpu.memory_space<vmem>>, vector<128x64xf32>,
    %get3A_194 = arith.constant 0 : index
    %get3A_195 = arith.constant 0 : index
    %get3A_196 = tpu.strided_load %arg3[%get3A_194, %get3A_195] {strides = array<i32: 2, 1>} : memref<128x128xf32, #tpu.memory_space<vmem>>, vector<64x64xf32>
    %swap3A_197 = arith.constant 640 : index
    %swap3A_198 = arith.constant 0 : index
    %swap3A_199 = vector.load %arg2[%swap3A_197, %swap3A_198] : memref<1024x128xf32, #tpu.memory_space<vmem>>, vector<64x64xf32>
    tpu.vector_store %arg2[%swap3A_197, %swap3A_198], %get3A_196 {strides = array<i32>} : memref<1024x128xf32, #tpu.memory_space<vmem>>, vector<64x64xf32>,
    %get3A_200 = arith.constant 1 : index
    %get3A_201 = arith.constant 0 : index
    %get3A_202 = tpu.strided_load %arg3[%get3A_200, %get3A_201] {strides = array<i32: 2, 1>} : memref<128x128xf32, #tpu.memory_space<vmem>>, vector<64x64xf32>
    %swap3A_203 = arith.constant 640 : index
    %swap3A_204 = arith.constant 64 : index
    %swap3A_205 = vector.load %arg2[%swap3A_203, %swap3A_204] : memref<1024x128xf32, #tpu.memory_space<vmem>>, vector<64x64xf32>
    tpu.vector_store %arg2[%swap3A_203, %swap3A_204], %get3A_202 {strides = array<i32>} : memref<1024x128xf32, #tpu.memory_space<vmem>>, vector<64x64xf32>,
    %get3A_206 = arith.constant 0 : index
    %get3A_207 = arith.constant 1408 : index
    %get3A_208 = vector.load %arg1[%get3A_206, %get3A_207] : memref<64x2048xf32, #tpu.memory_space<vmem>>, vector<64x128xf32>
    %transpose3A_209 = tpu.transpose %get3A_208, [1, 0] : vector<64x128xf32> -> vector<128x64xf32>
    %swap3A_210 = arith.constant 0 : index
    %swap3A_211 = arith.constant 0 : index
    %swap3A_212 = vector.load %arg4[%swap3A_210, %swap3A_211] : memref<128x128xf32, #tpu.memory_space<vmem>>, vector<128x64xf32>
    tpu.vector_store %arg4[%swap3A_210, %swap3A_211], %transpose3A_209 {strides = array<i32>} : memref<128x128xf32, #tpu.memory_space<vmem>>, vector<128x64xf32>,
    %get3A_213 = arith.constant 0 : index
    %get3A_214 = arith.constant 0 : index
    %get3A_215 = tpu.strided_load %arg4[%get3A_213, %get3A_214] {strides = array<i32: 2, 1>} : memref<128x128xf32, #tpu.memory_space<vmem>>, vector<64x64xf32>
    %swap3A_216 = arith.constant 704 : index
    %swap3A_217 = arith.constant 0 : index
    %swap3A_218 = vector.load %arg2[%swap3A_216, %swap3A_217] : memref<1024x128xf32, #tpu.memory_space<vmem>>, vector<64x64xf32>
    tpu.vector_store %arg2[%swap3A_216, %swap3A_217], %get3A_215 {strides = array<i32>} : memref<1024x128xf32, #tpu.memory_space<vmem>>, vector<64x64xf32>,
    %get3A_219 = arith.constant 1 : index
    %get3A_220 = arith.constant 0 : index
    %get3A_221 = tpu.strided_load %arg4[%get3A_219, %get3A_220] {strides = array<i32: 2, 1>} : memref<128x128xf32, #tpu.memory_space<vmem>>, vector<64x64xf32>
    %swap3A_222 = arith.constant 704 : index
    %swap3A_223 = arith.constant 64 : index
    %swap3A_224 = vector.load %arg2[%swap3A_222, %swap3A_223] : memref<1024x128xf32, #tpu.memory_space<vmem>>, vector<64x64xf32>
    tpu.vector_store %arg2[%swap3A_222, %swap3A_223], %get3A_221 {strides = array<i32>} : memref<1024x128xf32, #tpu.memory_space<vmem>>, vector<64x64xf32>,
    %get3A_225 = arith.constant 0 : index
    %get3A_226 = arith.constant 1536 : index
    %get3A_227 = vector.load %arg1[%get3A_225, %get3A_226] : memref<64x2048xf32, #tpu.memory_space<vmem>>, vector<64x128xf32>
    %transpose3A_228 = tpu.transpose %get3A_227, [1, 0] : vector<64x128xf32> -> vector<128x64xf32>
    %swap3A_229 = arith.constant 0 : index
    %swap3A_230 = arith.constant 0 : index
    %swap3A_231 = vector.load %arg3[%swap3A_229, %swap3A_230] : memref<128x128xf32, #tpu.memory_space<vmem>>, vector<128x64xf32>
    tpu.vector_store %arg3[%swap3A_229, %swap3A_230], %transpose3A_228 {strides = array<i32>} : memref<128x128xf32, #tpu.memory_space<vmem>>, vector<128x64xf32>,
    %get3A_232 = arith.constant 0 : index
    %get3A_233 = arith.constant 0 : index
    %get3A_234 = tpu.strided_load %arg3[%get3A_232, %get3A_233] {strides = array<i32: 2, 1>} : memref<128x128xf32, #tpu.memory_space<vmem>>, vector<64x64xf32>
    %swap3A_235 = arith.constant 768 : index
    %swap3A_236 = arith.constant 0 : index
    %swap3A_237 = vector.load %arg2[%swap3A_235, %swap3A_236] : memref<1024x128xf32, #tpu.memory_space<vmem>>, vector<64x64xf32>
    tpu.vector_store %arg2[%swap3A_235, %swap3A_236], %get3A_234 {strides = array<i32>} : memref<1024x128xf32, #tpu.memory_space<vmem>>, vector<64x64xf32>,
    %get3A_238 = arith.constant 1 : index
    %get3A_239 = arith.constant 0 : index
    %get3A_240 = tpu.strided_load %arg3[%get3A_238, %get3A_239] {strides = array<i32: 2, 1>} : memref<128x128xf32, #tpu.memory_space<vmem>>, vector<64x64xf32>
    %swap3A_241 = arith.constant 768 : index
    %swap3A_242 = arith.constant 64 : index
    %swap3A_243 = vector.load %arg2[%swap3A_241, %swap3A_242] : memref<1024x128xf32, #tpu.memory_space<vmem>>, vector<64x64xf32>
    tpu.vector_store %arg2[%swap3A_241, %swap3A_242], %get3A_240 {strides = array<i32>} : memref<1024x128xf32, #tpu.memory_space<vmem>>, vector<64x64xf32>,
    %get3A_244 = arith.constant 0 : index
    %get3A_245 = arith.constant 1664 : index
    %get3A_246 = vector.load %arg1[%get3A_244, %get3A_245] : memref<64x2048xf32, #tpu.memory_space<vmem>>, vector<64x128xf32>
    %transpose3A_247 = tpu.transpose %get3A_246, [1, 0] : vector<64x128xf32> -> vector<128x64xf32>
    %swap3A_248 = arith.constant 0 : index
    %swap3A_249 = arith.constant 0 : index
    %swap3A_250 = vector.load %arg4[%swap3A_248, %swap3A_249] : memref<128x128xf32, #tpu.memory_space<vmem>>, vector<128x64xf32>
    tpu.vector_store %arg4[%swap3A_248, %swap3A_249], %transpose3A_247 {strides = array<i32>} : memref<128x128xf32, #tpu.memory_space<vmem>>, vector<128x64xf32>,
    %get3A_251 = arith.constant 0 : index
    %get3A_252 = arith.constant 0 : index
    %get3A_253 = tpu.strided_load %arg4[%get3A_251, %get3A_252] {strides = array<i32: 2, 1>} : memref<128x128xf32, #tpu.memory_space<vmem>>, vector<64x64xf32>
    %swap3A_254 = arith.constant 832 : index
    %swap3A_255 = arith.constant 0 : index
    %swap3A_256 = vector.load %arg2[%swap3A_254, %swap3A_255] : memref<1024x128xf32, #tpu.memory_space<vmem>>, vector<64x64xf32>
    tpu.vector_store %arg2[%swap3A_254, %swap3A_255], %get3A_253 {strides = array<i32>} : memref<1024x128xf32, #tpu.memory_space<vmem>>, vector<64x64xf32>,
    %get3A_257 = arith.constant 1 : index
    %get3A_258 = arith.constant 0 : index
    %get3A_259 = tpu.strided_load %arg4[%get3A_257, %get3A_258] {strides = array<i32: 2, 1>} : memref<128x128xf32, #tpu.memory_space<vmem>>, vector<64x64xf32>
    %swap3A_260 = arith.constant 832 : index
    %swap3A_261 = arith.constant 64 : index
    %swap3A_262 = vector.load %arg2[%swap3A_260, %swap3A_261] : memref<1024x128xf32, #tpu.memory_space<vmem>>, vector<64x64xf32>
    tpu.vector_store %arg2[%swap3A_260, %swap3A_261], %get3A_259 {strides = array<i32>} : memref<1024x128xf32, #tpu.memory_space<vmem>>, vector<64x64xf32>,
    %get3A_263 = arith.constant 0 : index
    %get3A_264 = arith.constant 1792 : index
    %get3A_265 = vector.load %arg1[%get3A_263, %get3A_264] : memref<64x2048xf32, #tpu.memory_space<vmem>>, vector<64x128xf32>
    %transpose3A_266 = tpu.transpose %get3A_265, [1, 0] : vector<64x128xf32> -> vector<128x64xf32>
    %swap3A_267 = arith.constant 0 : index
    %swap3A_268 = arith.constant 0 : index
    %swap3A_269 = vector.load %arg3[%swap3A_267, %swap3A_268] : memref<128x128xf32, #tpu.memory_space<vmem>>, vector<128x64xf32>
    tpu.vector_store %arg3[%swap3A_267, %swap3A_268], %transpose3A_266 {strides = array<i32>} : memref<128x128xf32, #tpu.memory_space<vmem>>, vector<128x64xf32>,
    %get3A_270 = arith.constant 0 : index
    %get3A_271 = arith.constant 0 : index
    %get3A_272 = tpu.strided_load %arg3[%get3A_270, %get3A_271] {strides = array<i32: 2, 1>} : memref<128x128xf32, #tpu.memory_space<vmem>>, vector<64x64xf32>
    %swap3A_273 = arith.constant 896 : index
    %swap3A_274 = arith.constant 0 : index
    %swap3A_275 = vector.load %arg2[%swap3A_273, %swap3A_274] : memref<1024x128xf32, #tpu.memory_space<vmem>>, vector<64x64xf32>
    tpu.vector_store %arg2[%swap3A_273, %swap3A_274], %get3A_272 {strides = array<i32>} : memref<1024x128xf32, #tpu.memory_space<vmem>>, vector<64x64xf32>,
    %get3A_276 = arith.constant 1 : index
    %get3A_277 = arith.constant 0 : index
    %get3A_278 = tpu.strided_load %arg3[%get3A_276, %get3A_277] {strides = array<i32: 2, 1>} : memref<128x128xf32, #tpu.memory_space<vmem>>, vector<64x64xf32>
    %swap3A_279 = arith.constant 896 : index
    %swap3A_280 = arith.constant 64 : index
    %swap3A_281 = vector.load %arg2[%swap3A_279, %swap3A_280] : memref<1024x128xf32, #tpu.memory_space<vmem>>, vector<64x64xf32>
    tpu.vector_store %arg2[%swap3A_279, %swap3A_280], %get3A_278 {strides = array<i32>} : memref<1024x128xf32, #tpu.memory_space<vmem>>, vector<64x64xf32>,
    %get3A_282 = arith.constant 0 : index
    %get3A_283 = arith.constant 1920 : index
    %get3A_284 = vector.load %arg1[%get3A_282, %get3A_283] : memref<64x2048xf32, #tpu.memory_space<vmem>>, vector<64x128xf32>
    %transpose3A_285 = tpu.transpose %get3A_284, [1, 0] : vector<64x128xf32> -> vector<128x64xf32>
    %swap3A_286 = arith.constant 0 : index
    %swap3A_287 = arith.constant 0 : index
    %swap3A_288 = vector.load %arg4[%swap3A_286, %swap3A_287] : memref<128x128xf32, #tpu.memory_space<vmem>>, vector<128x64xf32>
    tpu.vector_store %arg4[%swap3A_286, %swap3A_287], %transpose3A_285 {strides = array<i32>} : memref<128x128xf32, #tpu.memory_space<vmem>>, vector<128x64xf32>,
    %get3A_289 = arith.constant 0 : index
    %get3A_290 = arith.constant 0 : index
    %get3A_291 = tpu.strided_load %arg4[%get3A_289, %get3A_290] {strides = array<i32: 2, 1>} : memref<128x128xf32, #tpu.memory_space<vmem>>, vector<64x64xf32>
    %swap3A_292 = arith.constant 960 : index
    %swap3A_293 = arith.constant 0 : index
    %swap3A_294 = vector.load %arg2[%swap3A_292, %swap3A_293] : memref<1024x128xf32, #tpu.memory_space<vmem>>, vector<64x64xf32>
    tpu.vector_store %arg2[%swap3A_292, %swap3A_293], %get3A_291 {strides = array<i32>} : memref<1024x128xf32, #tpu.memory_space<vmem>>, vector<64x64xf32>,
    %get3A_295 = arith.constant 1 : index
    %get3A_296 = arith.constant 0 : index
    %get3A_297 = tpu.strided_load %arg4[%get3A_295, %get3A_296] {strides = array<i32: 2, 1>} : memref<128x128xf32, #tpu.memory_space<vmem>>, vector<64x64xf32>
    %swap3A_298 = arith.constant 960 : index
    %swap3A_299 = arith.constant 64 : index
    %swap3A_300 = vector.load %arg2[%swap3A_298, %swap3A_299] : memref<1024x128xf32, #tpu.memory_space<vmem>>, vector<64x64xf32>
    tpu.vector_store %arg2[%swap3A_298, %swap3A_299], %get3A_297 {strides = array<i32>} : memref<1024x128xf32, #tpu.memory_space<vmem>>, vector<64x64xf32>,
    return
  }
  func.func @transform_0(%arg0: i32) -> (i32, i32) {
    %c0_i32 = arith.constant 0 : i32
    %c0_i32_0 = arith.constant 0 : i32
    return %c0_i32, %arg0 : i32, i32
  }
  func.func @transform_1(%arg0: i32) -> (i32, i32) {
    %c0_i32 = arith.constant 0 : i32
    %c0_i32_0 = arith.constant 0 : i32
    return %arg0, %c0_i32 : i32, i32
  }
}

</mosaic_0001>

<sc_bundles>
// kernel: sparse-core-data-format-call.cloned.1.call-start
scs
called_computation_lowered:
.L_overlay_start_0:
0x0: {  	s2 =	sld [smem:$0x3FD9]  }
0x1: {  	s3 =	sld [smem:$0x3FFE];
	_ =	sdelay $0x1  }
0x2: {  	s1 =	srdreg.scid  }
0x3: {  	s0 =	sand.u32 $0x1, s1  }
0x4: {  	s18 =	sshll.u32 s0, $0xA;
	s2 =	sadd.s32 s3, s2  }
0x5: {  	s2 =	sadd.s32 s2, s18  }
0x6: {  	[smem:$0x3FC7] =	sst s2  }
0x7: {  	_ = 	snop  }
0x8: {  	s2 =	sld [smem:$0x3FD0];
	(tm) =	ssettm $0x1  }
0x9: {  	s19 =	sld [smem:$0x3FFB];
	_ =	sdelay $0x3  }
0xa: {  	_ =	strace s19  }
0xb: {  	s3 =	sld [smem:$0x3FFC];
	_ =	sdelay $0x3  }
0xc: {  	_ =	strace s3  }
0xd: {  	s3 =	sld [smem:$0x3FFD];
	_ =	sdelay $0x3  }
0xe: {  	_ =	strace s3  }
0xf: {  	_ =	strace $0x8FFFFFFF  }
0x10: {  	s20 =	sld [smem:$0x3FDB];
	_ =	sdelay $0x1  }
0x11: {  	s4 =	simm.s32 $_scs_section_size  }
0x12: {  	s5 =	simm.s32 $_size__tile_overlayer_lowered;
	s6 =	simm.s32 $_tile_overlayer_lowered  }
0x13: {  	s23 =	simm.s32 $0x1BFF;
	s22 =	sshll.u32 s6, $0x1;
	s3 =	sadd.s32 s4, s20  }
0x14: {  	s7 =	simm.s32 $0x0;
	s21 =	sshll.u32 s5, $0x1;
	s5 =	sadd.s32 s22, s3  }
0x15: {  	[timem:s7], [sflag:s23] =	dma.local [hbm:s5], s21  }
0x16: {  	_ =	swait.ge [sflag:s23], s21  }
0x17: {  	s4 =	ssub.s32 $0x0, s21;
	[sflag:s23] =	ssyncset.done $0x0  }
0x18: {  	[sflag:s23] =	ssyncadd.s32 s4;
	_ =	sdelay $0x1  }
0x19: {  	s24 =	simm.s32 $0x1B8B  }
0x1a: {  	_ =	swait.ge [sflag:s24], $0x1  }
0x1b: {  	[sflag:s24] =	ssyncset.done $0x0  }
0x1c: {  	s26 =	simm.s32 $0x1B8E;
	s25 =	sld [smem:$0x3FFE];
	[sflag:s24] =	ssyncadd.s32 $0xFFFFFFFF  }
0x1d: {  	s27 =	simm.s32 $execute0_lowered;
	[smem:$0x3FD2] =	sst s26  }
0x1e: {  	s5 =	sshll.u32 s27, $0x1;
	_ =	strace $0x80000046;
	[dreg:$0x1] =	wrdreg $0xFFFFFFFF  }
0x1f: {  	s28 =	simm.s32 $_size_execute0_lowered;
	s3 =	sadd.s32 s3, s5;
	[dreg:$0x0] =	wrdreg $0x0  }
0x20: {  	s5 =	sshll.u32 s28, $0x1;
	[dreg:$0x2] =	wrdreg s3  }
0x21: {  	[dreg:$0x3] =	wrdreg s5  }
0x22: {  	[dreg:$0x4] =	wrdreg $0xC0  }
0x23: {  	_ =	task [dreg:s7], $0x5FFFF  }
0x24: {  	[dreg:$0x1] =	wrdreg $0xFFFFFFFF  }
0x25: {  	[dreg:$0x0] =	wrdreg $0x60  }
0x26: {  	[dreg:$0x2] =	wrdreg s25  }
0x27: {  	[dreg:$0x3] =	wrdreg s2  }
0x28: {  	[dreg:$0x4] =	wrdreg $0x9  }
0x29: {  	_ =	task.clear_ibuf [dreg:s7], $0x5FFFF;
	_ =	strace $0x90000046  }
0x2a: {  	s29 =	simm.s32 $0x9;
	_ =	strace $0x80000048  }
0x2b: {  	_ =	swait.ge [sflag:s29], $0x1  }
0x2c: {  	[sflag:s29] =	ssyncadd.s32 $0xFFFFFFFF  }
0x2d: {  	_ =	strace $0x90000048  }
0x2e: {  	_ =	sfence  }
0x2f: {  	s30 =	sld [smem:$0x0];
	_ =	sdelay $0x2  }
0x30: {  	s31 =	sshll.u32 s1, $0xD;
	s1 =	sshrl.u32 s1, $0x2  }
0x31: {  	s3 =	sand.u32 $0x4000, s31;
	s1 =	sadd.s32 s1, s30  }
0x32: {  	s0 =	sor.u32 s3, s0;
	s1 =	sshll.u32 s1, $0x11  }
0x33: {  	s0 =	sor.u32 s1, s0  }
0x34: {  	s0 =	sadd.s32 $0x8F2B, s0  }
0x35: {  	[sflag:s0] =	ssyncadd.remote.s32 $0x1  }
0x36: {  	_ =	sfence.sel $0xFFFF  }
0x37: {  	[dreg:$0x0] =	wrdreg $0xFFFFFFFF;
	(pc) =	sbr.abs _section_cstart, $3  }
0x38: {  	[dreg:$0x1] =	wrdreg $0xFFFFFFFF  }
0x39: {  	_ =	task.clear_ibuf [dreg:s7], $0x2FFFF;
	_ =	strace $0x9FFFFFFF  }
0x3a: {  	(tm) =	ssettm $0x7FFFFFFF  }
0x3b: {  	_ =	shalt  }
tec
execute0_lowered:
.L_overlay_start_1:
0x0: {  	(tag) =	ssettag $0x1  }
0x1: {  	s0 =	srdreg.scid  }
0x2: {  	s1 =	sshll.u32 s0, $0x4  }
0x3: {  	s0 =	stileid.u32;
	s1 =	sand.u32 $0x10, s1  }
0x4: {  	s1 =	sor.u32 s0, s1  }
0x5: {  	s6 =	rddreg [dreg:$0x0];
	s4 =	simm.s32 $0x1;
	s2 =	sshll.u32 s1, $0x7  }
0x6: {  	s7 =	simm.s32 $0x2;
	s12 =	simm.s32 $0x0;
	s1 =	ssub.s32 $0x1000, s2  }
0x7: {  	s8 =	simm.s32 $0x8000;
	s13 =	simm.s32 $0x0;
	s3 =	sand.u32 $0xF80, s1  }
0x8: {  	s9 =	simm.s32 $0x0;
	s5 =	sshrl.u32 s1, $0xC;
	p0 =	sne.s32 s3, $0x0  }
.Ltmp0:
0x9: {  	s1 =	rddreg [dreg:$0x2];
	s4 =	simm.s32 @!p0 $0x0;
	(pc) =	sbr.rel .LBB1_1-.Ltmp0, $4  }
0xa: {  	s11 =	simm.s32 $0x0;
	s3 =	rddreg [dreg:$0x1];
	s5 =	sadd.s32 s4, s5  }
0xb: {  	_ =	strace $0x80000047;
	s4 =	simm.s32 $0x1;
	s5 =	smul.u32 $0x32, s5  }
0xc: {  	s6 =	sadd.s32 $0x400, s6;
	s10 =	smov.u32 s2;
	[sflag:s4] =	ssyncpa.u1 $0x0  }
0xd: {  	p0 =	por $0x0, $0x0;
	[sflag:s7] =	ssyncpa.u1 $0x0;
	s7 =	sor.u32 $0x1, s5  }
.LBB1_4:
0xe: {  	s16 =	sshll.u32 s13, $0x3;
	s17 =	sand.u32 $0x78, s13  }
0xf: {  	s30 =	sand.u32 $0x7E00, s13;
	s12 =	sshll.u32 s12, $0xF;
	s16 =	sand.u32 $0xC00, s16  }
0x10: {  	[tilespmem:s15+$0x810 ss:$0x81] =	vst.msk $0xffff, v2;
	s31 =	sand.u32 $0x7, s13;
	s16 =	sor.u32 s17, s16;
	s17 =	sadd.s32 s3, s30  }
0x11: {  	[tilespmem:s15+$0x1020 ss:$0x81] =	vst.msk $0xffff, v0;
	s13 =	sshll.u32 s31, $0x12;
	s12 =	sadd.s32 s12, s17;
	s16 =	sshrl.u32 s16, $0x3  }
0x12: {  	[tilespmem:s15+$0x0 ss:$0x81] =	vst.msk $0xffff, v1;
	s13 =	sor.u32 $0x400, s13;
	s12 =	sadd.s32 s16, s12  }
0x13: {  	[hbm4b:s12+s13] =	stream.strided.scatter [tilespmem:s14], [sflag:$0x2], $0x2000, s8, s13, $0x20;
	[tilespmem:$0x8080] =	vst v63  }
.LBB1_5:
0x14: {  	s14 =	sadd.s32 $0x1, s9  }
0x15: {  	s12 =	sadd.s32 $0x1000, s10;
	s16 =	smov.u32 s10;
	p2 =	sgt.s32 s14, $0x31  }
0x16: {  	s16 =	smov.u32 @p2 s12  }
0x17: {  	s14 =	simm.s32 @p2 $0x0;
	p2 =	sgt.s32 s16, $0xFFF  }
0x18: {  	s16 =	smov.u32 @p2 s2;
	p2 =	sne.s32 s11, s7  }
.Ltmp1:
0x19: {  	p1 =	slt.u32 s11, $0x2;
	(pc) =	sbr.rel @!p2 .LBB1_6-.Ltmp1, $4  }
0x1a: {  	s15 =	simm.s32 @!p1 $0x2  }
0x1b: {  	s13 =	smov.u32 s10;
	p0 =	por !p0, !p0;
	_ =	swait.ge @!p1 [sflag:s15], $0x2000  }
0x1c: {  	s12 =	smov.u32 s9;
	[sflag:s15] =	ssyncset.done @!p1 $0x0;
	s9 =	smov.u32 s14  }
0x1d: {  	s11 =	sadd.s32 $0x1, s11;
	[sflag:s15] =	ssyncadd.s32 @!p1 $0xFFFFE000;
	s10 =	smov.u32 s16  }
.LBB1_1:
0x1e: {  	p1 =	sge.u32 s11, s5  }
0x1f: {  	s14 =	sand.u32 @!p1 $0x1FFFFFF, s9  }
0x20: {  	s15 =	smulhi.u32 @!p1 $0x4924925, s14;
	_ =	sdelay $0x1  }
0x21: {  	s15 =	smul.u32 @!p1 $0x38, s15  }
0x22: {  	s16 =	sxor.u32 @!p1 $0xFFFFFFFF, s11;
	s17 =	smul.u32 @!p1 $0x380, s10  }
0x23: {  	s31 =	sadd.s32 $0xFFFFFFFF, s11;
	s16 =	sshll.u32 @!p1 s16, $0xD;
	s14 =	ssub.s32 @!p1 s14, s15  }
0x24: {  	s15 =	sand.u32 @!p1 $0x2000, s16;
	s16 =	sadd.s32 @!p1 s6, s17;
	s14 =	sshll.u32 @!p1 s14, $0x4  }
0x25: {  	s17 =	simm.s32 @!p1 $0x1C00;
	s14 =	sadd.s32 @!p1 s14, s16;
	s16 =	simm.s32 @!p1 $0x40  }
0x26: {  	[tilespmem:s15], [sflag:$0x1] =	stream.strided.gather @!p1 [hbm4b:s14+s16], $0x2000, s17, s16, $0x38;
	[tilespmem:$0x8080] =	vst v63  }
0x27: {  	p1 =	sge.u32 s31, s5  }
.Ltmp2:
0x28: {  	_ = 	snop;
	(pc) =	sbr.rel @p1 .LBB1_5-.Ltmp2, $1  }
0x29: {  	_ =	sdelay $0x3  }
0x2a: {  	s14 =	simm.s32 $0x1  }
0x2b: {  	_ =	swait.ge [sflag:s4], $0x2000;
	s14 =	simm.s32 @!p0 $0x0  }
0x2c: {  	[sflag:s4] =	ssyncset.done $0x0;
	s15 =	sshll.u32 s14, $0xD  }
0x2d: {  	[sflag:s4] =	ssyncadd.s32 $0xFFFFE000;
	s18 =	sor.u32 $0x20, s15  }
0x2e: {  	s14 =	smul.u32 $0x8100, s14;
	v3 =	vld [tilespmem:s18+$0x10]  }
0x2f: {  	s30 =	sand.u32 $0x1, s11;
	v2 =	vld [tilespmem:s18+$0xFFFFFFF0]  }
0x30: {  	s15 =	smul.u32 $0x8100, s30;
	s14 =	sshrl.u32 s14, $0x2;
	v0 =	vld [tilespmem:s18+$0x0]  }
0x31: {  	v1 =	vld [tilespmem:s18+$0xFFFFFFE0];
	s16 =	sor.u32 $0x4000, s14  }
0x32: {  	s31 =	sshrl.u32 s15, $0x2;
	s15 =	sadd.s32 $0x0, s16  }
0x33: {  	s17 =	simm.s32 $0x4;
	s18 =	sadd.s32 $0x40, s18;
	s14 =	sor.u32 $0x4000, s31;
	[tilespmem:s15+$0x1830 ss:$0x81] =	vst.msk $0xffff, v3  }
.LBB1_3:
0x34: {  	v3 =	vld [tilespmem:s18+$0x10];
	p1 =	sne.s32 s17, $0x1FC;
	[tilespmem:s15+$0x810 ss:$0x81] =	vst.msk $0xffff, v2;
	s19 =	smov.u32 s17;
	s17 =	sadd.s32 $0x4, s17  }
.Ltmp3:
0x35: {  	v2 =	vld [tilespmem:s18+$0xFFFFFFF0];
	[tilespmem:s15+$0x1020 ss:$0x81] =	vst.msk $0xffff, v0;
	(pc) =	sbr.rel @p1 .LBB1_3-.Ltmp3, $4  }
0x36: {  	v0 =	vld [tilespmem:s18+$0x0];
	[tilespmem:s15+$0x0 ss:$0x81] =	vst.msk $0xffff, v1  }
0x37: {  	s15 =	sshra.s32 s19, $0x2;
	v1 =	vld [tilespmem:s18+$0xFFFFFFE0]  }
0x38: {  	s15 =	sadd.s32 s15, s16  }
0x39: {  	s18 =	sadd.s32 $0x40, s18;
	[tilespmem:s15+$0x1830 ss:$0x81] =	vst.msk $0xffff, v3  }
.Ltmp4:
0x3a: {  	_ = 	snop;
	(pc) =	sbr.rel .LBB1_4-.Ltmp4, $1  }
0x3b: {  	_ =	sdelay $0x3  }
.LBB1_6:
0x3c: {  	_ =	sfence.sel $0x180000  }
0x3d: {  	s2 =	simm.s32 $0x1;
	[bflag:$0x0] =	sbarrier.arrive $0xFFFF  }
0x3e: {  	s31 =	simm.s32 $0x2;
	[sflag:s2] =	ssyncpa.u1 $0x1  }
0x3f: {  	[sflag:s31] =	ssyncpa.u1 $0x1  }
0x40: {  	p0 =	sne.s32 s0, $0x0;
	_ =	strace $0x90000047  }
0x41: {  	s0 =	sadd.s32 @!p0 $0x100000, s1;
	[bflag:$0x2] =	sbarrier.arrive $0xFFFF  }
0x42: {  	[sflag:s0] =	ssyncadd.tile.s32 @!p0 $0x1;
	_ =	shalt  }
.Lfunc_end1:
_tile_overlayer_lowered:
.L_overlay_start_2:
0x43: {  	(tag) =	ssettag $0x2  }
0x44: {  	s0 =	rddreg [dreg:$0x0];
	s2 =	stileid.u32  }
0x45: {  	s1 =	rddreg [dreg:$0x1];
	p0 =	sne.s32 s2, $0x0  }
0x46: {  	s3 =	rddreg [dreg:$0x2];
	[bflag:$0x3] =	sbarrier.arrive $0xFFFF;
	s2 =	simm.s32 @!p0 $0x1C01  }
0x47: {  	[timem:s3], [sflag:s2] =	dma.local @!p0 [hbm:s0], s1  }
0x48: {  	s0 =	simm.s32 @!p0 $0x1  }
0x49: {  	_ =	swait.ge @!p0 [sflag:s0], s1  }
0x4a: {  	s1 =	ssub.s32 @!p0 $0x0, s1;
	[sflag:s0] =	ssyncset.done @!p0 $0x0  }
0x4b: {  	[sflag:s0] =	ssyncadd.s32 @!p0 s1  }
0x4c: {  	[bflag:$0x3] =	sbarrier.arrive $0xFFFF  }
0x4d: {  	_ =	shalt  }

</sc_bundles>
